<compile_context>
chip_gen: v7x
topology: tpu7x:2x2x1
jax: 0.10.2.dev20260603
libtpu: 0.0.44.dev20260713+nightly
codegen_flags: <defaults>
</compile_context>

<pallas_src>
import functools

import jax
import jax.numpy as jnp
from jax import lax
from jax.experimental import pallas as pl
from jax.experimental.pallas import tpu as pltpu
from jax.experimental.pallas import tpu_sc as plsc

N_CAT = 26
VOCAB = 100000
D_MODEL = 32
BATCH = 16384

NC, NS = 2, 16
NW = NC * NS
NPL = N_CAT * D_MODEL
PPW = NPL // NW
BCH = 4096
NCH = BATCH // BCH


def _body(tT, xT, out5, plane_v, xc_v, blk_v, psem, xsem, osem):
    wid = lax.axis_index("s") * NC + lax.axis_index("c")
    base = wid * PPW

    def plane_ref(su):
        i = lax.div(su, D_MODEL)
        d = lax.rem(su, D_MODEL)
        return tT.at[i, d]

    def issue_plane(su):
        pltpu.async_copy(plane_ref(su), plane_v, psem)

    def wait_plane(su):
        pltpu.make_async_copy(plane_ref(su), plane_v, psem).wait()

    def out_ref(su, h):
        i = lax.div(su, D_MODEL)
        d = lax.rem(su, D_MODEL)
        td = lax.shift_right_logical(d, 3)
        dr = lax.bitwise_and(d, 7)
        return out5.at[i, td, pl.ds(h * 64, 64), pl.ds(dr, 1), pl.ds(0, 128)]

    def issue_out(su, h):
        pltpu.async_copy(blk_v, out_ref(su, h), osem)

    def drain_out():
        pltpu.make_async_copy(
            blk_v, out5.at[0, 0, pl.ds(0, 64), pl.ds(0, 1), pl.ds(0, 128)],
            osem).wait()

    def gather_half(h):
        def inner(f, carry):
            for k in range(8):
                idx = xc_v[pl.ds(h * 8192 + f * 128 + k * 16, 16)]
                vals = plsc.load_gather(plane_v, [idx])
                blk_v[f, 0, pl.ds(k * 16, 16)] = vals
            return carry
        lax.fori_loop(0, 64, inner, 0)

    issue_plane(base)

    def loop_body(s, i_prev):
        su = base + s
        i = lax.div(su, D_MODEL)
        wait_plane(su)

        @pl.when(i != i_prev)
        def _():
            pltpu.sync_copy(xT.at[i], xc_v)

        @pl.when(s >= 1)
        def _():
            drain_out()
        gather_half(0)
        issue_out(su, 0)
        drain_out()
        gather_half(1)

        @pl.when(s < PPW - 1)
        def _():
            issue_plane(su + 1)
        issue_out(su, 1)
        return i

    lax.fori_loop(0, PPW, loop_body, jnp.int32(-1))
    drain_out()


_lookup = functools.partial(
    pl.kernel,
    out_type=jax.ShapeDtypeStruct((N_CAT, 4, 128, 8, 128), jnp.float32),
    mesh=plsc.VectorSubcoreMesh(core_axis_name="c", subcore_axis_name="s"),
    compiler_params=pltpu.CompilerParams(needs_layout_passes=False),
    scratch_types=[
        pltpu.VMEM((VOCAB,), jnp.float32),
        pltpu.VMEM((BATCH,), jnp.int32),
        pltpu.VMEM((64, 1, 128), jnp.float32),
        pltpu.SemaphoreType.DMA,
        pltpu.SemaphoreType.DMA,
        pltpu.SemaphoreType.DMA,
    ],
)(_body)


def kernel(x, tables):
    tT = tables.transpose(0, 2, 1)
    xT = x.astype(jnp.int32).T
    out5 = _lookup(tT, xT)
    return out5.transpose(2, 4, 0, 1, 3).reshape(BATCH, N_CAT, D_MODEL)

# --- scband reference (transcript-rebuilt; emitter-appended) ---
"""Pipeline reference for scband-categorical-tokenizer-18683107737843 (READ-ONLY COPY).

The authoritative reference and input builder live on the scoring server;
editing this copy changes nothing except your own understanding.
"""

import jax, jax.numpy as jnp
import numpy as np

N_CAT = 26
VOCAB = 100000
D_MODEL = 32
BATCH = 16384


def setup_inputs(seed: int = 0) -> dict:
    key = jax.random.key(seed)
    k_idx, k_tab = jax.random.split(key)
    x = jax.random.randint(k_idx, (BATCH, N_CAT), 0, VOCAB, dtype=jnp.int64 if jax.config.jax_enable_x64 else jnp.int32)
    # All 26 categorical features share cardinality VOCAB, so the 26 embedding
    # tables are materialized as a single stacked parameter [N_CAT, VOCAB, D_MODEL].
    tables = jax.random.normal(k_tab, (N_CAT, VOCAB, D_MODEL), dtype=jnp.float32) * 0.02
    return {"x": x, "tables": tables}


def reference(x, tables):
    # Faithful translation of CategoricalTokenizer.forward:
    #   tokens = [emb_i(x[:, i]) for i in range(n_cat)]; stack(dim=1)
    tokens = [jnp.take(tables[i], x[:, i], axis=0) for i in range(N_CAT)]
    return jnp.stack(tokens, axis=1)  # (batch, n_cat, d_model)

if __name__ == "__main__":
    import jax
    _d = setup_inputs()
    print(jax.jit(kernel)(*tuple(_d.values())))

</pallas_src>

<mosaic_0001>
#map = affine_map<(d0, d1) -> (0, 0, 0)>
#map1 = affine_map<(d0, d1) -> (0, 0)>
#map2 = affine_map<(d0, d1) -> (0, 0, 0, 0, 0)>
module attributes {stable_mosaic.version = 14 : i64} {
  func.func @_body(%arg0: i32, %arg1: i32, %arg2: memref<26x32x100000xf32, #tpu.memory_space<hbm>>, %arg3: memref<26x16384xi32, #tpu.memory_space<hbm>>, %arg4: memref<26x4x128x8x128xf32, #tpu.memory_space<hbm>>, %arg5: memref<100000xf32, #tpu.memory_space<vmem>>, %arg6: memref<16384xi32, #tpu.memory_space<vmem>>, %arg7: memref<64x1x128xf32, #tpu.memory_space<vmem>>, %arg8: memref<!tpu.dma_semaphore, #tpu.memory_space<semaphore_mem>>, %arg9: memref<!tpu.dma_semaphore, #tpu.memory_space<semaphore_mem>>, %arg10: memref<!tpu.dma_semaphore, #tpu.memory_space<semaphore_mem>>) attributes {dimension_semantics = [#tpu.dimension_semantics<core_parallel>, #tpu.dimension_semantics<subcore_parallel>], iteration_bounds = array<i64: 2, 16>, scalar_prefetch = 0 : i64, scratch_operands = 6 : i64, tpu.core_type = #tpu.core_type<sc_vector_subcore>, window_params = [{transform_indices = #map}, {transform_indices = #map1}, {transform_indices = #map2}]} {
    %mul3A = arith.constant 2 : i32
    %mul3A_0 = arith.muli %arg1, %mul3A : i32
    %add3A = arith.addi %mul3A_0, %arg0 : i32
    %mul3A_1 = arith.constant 26 : i32
    %mul3A_2 = arith.muli %add3A, %mul3A_1 : i32
    %div3A = arith.constant 32 : i32
    %div3A_3 = arith.divsi %mul3A_2, %div3A : i32
    %rem3A = arith.constant 32 : i32
    %rem3A_4 = arith.remsi %mul3A_2, %rem3A : i32
    %dma_start3A = arith.constant 0 : i32
    %dma_start3A_5 = tpu.memref_slice %arg2[%div3A_3, %rem3A_4, %dma_start3A] : memref<26x32x100000xf32, #tpu.memory_space<hbm>> -> memref<1x1x100000xf32, #tpu.memory_space<hbm>>
    %dma_start3A_6 = tpu.memref_squeeze %dma_start3A_5 : memref<1x1x100000xf32, #tpu.memory_space<hbm>> -> memref<100000xf32, #tpu.memory_space<hbm>>
    %dma_start3A_7 = arith.constant 0 : i32
    %dma_start3A_8 = tpu.memref_slice %arg2[%div3A_3, %rem3A_4, %dma_start3A_7] : memref<26x32x100000xf32, #tpu.memory_space<hbm>> -> memref<1x1x100000xf32, #tpu.memory_space<hbm>>
    %dma_start3A_9 = tpu.memref_squeeze %dma_start3A_8 : memref<1x1x100000xf32, #tpu.memory_space<hbm>> -> memref<100000xf32, #tpu.memory_space<hbm>>
    tpu.enqueue_dma source(%dma_start3A_9 : memref<100000xf32, #tpu.memory_space<hbm>>) target(%arg5 : memref<100000xf32, #tpu.memory_space<vmem>>) target_semaphore(%arg8 : memref<!tpu.dma_semaphore, #tpu.memory_space<semaphore_mem>>)
    %scan3A = arith.constant -1 : i32
    %scan3A_10 = arith.constant 0 : i32
    %scan3A_11 = arith.constant 26 : i32
    %scan3A_12 = arith.addi %scan3A_10, %scan3A_11 : i32
    %scan3A_13 = arith.constant 1 : i32
    %scan3A_14 = scf.for %scan3A_27 = %scan3A_10 to %scan3A_12 step %scan3A_13 iter_args(%scan3A_28 = %scan3A) -> (i32)  : i32 {
      %add3A_29 = arith.addi %mul3A_2, %scan3A_27 : i32
      %div3A_30 = arith.constant 32 : i32
      %div3A_31 = arith.divsi %add3A_29, %div3A_30 : i32
      %div3A_32 = arith.constant 32 : i32
      %div3A_33 = arith.divsi %add3A_29, %div3A_32 : i32
      %rem3A_34 = arith.constant 32 : i32
      %rem3A_35 = arith.remsi %add3A_29, %rem3A_34 : i32
      %dma_wait3A_36 = arith.constant 0 : i32
      %dma_wait3A_37 = tpu.memref_slice %arg2[%div3A_33, %rem3A_35, %dma_wait3A_36] : memref<26x32x100000xf32, #tpu.memory_space<hbm>> -> memref<1x1x100000xf32, #tpu.memory_space<hbm>>
      %dma_wait3A_38 = tpu.memref_squeeze %dma_wait3A_37 : memref<1x1x100000xf32, #tpu.memory_space<hbm>> -> memref<100000xf32, #tpu.memory_space<hbm>>
      %dma_wait3A_39 = arith.constant 0 : i32
      %dma_wait3A_40 = tpu.memref_slice %arg2[%div3A_33, %rem3A_35, %dma_wait3A_39] : memref<26x32x100000xf32, #tpu.memory_space<hbm>> -> memref<1x1x100000xf32, #tpu.memory_space<hbm>>
      %dma_wait3A_41 = tpu.memref_squeeze %dma_wait3A_40 : memref<1x1x100000xf32, #tpu.memory_space<hbm>> -> memref<100000xf32, #tpu.memory_space<hbm>>
      tpu.wait_dma2 semaphore(%arg8 : memref<!tpu.dma_semaphore, #tpu.memory_space<semaphore_mem>>) src(%dma_wait3A_41 : memref<100000xf32, #tpu.memory_space<hbm>>) dst(%arg5 : memref<100000xf32, #tpu.memory_space<vmem>>)
      %ne3A = arith.cmpi ne, %div3A_31, %scan3A_28 : i32
      %convert_element_type3A = arith.extui %ne3A : i1 to i32
      %cond3A = arith.constant 0 : i32
      %cond3A_42 = arith.cmpi ne, %convert_element_type3A, %cond3A : i32
      scf.if %cond3A_42 {
        "tpu.region"() ({
          %run_scoped3A = tpu.sem_alloc : memref<!tpu.dma_semaphore, #tpu.memory_space<semaphore_mem>>
          %dma_start3A_105 = arith.constant 0 : i32
          %dma_start3A_106 = tpu.memref_slice %arg3[%div3A_31, %dma_start3A_105] : memref<26x16384xi32, #tpu.memory_space<hbm>> -> memref<1x16384xi32, #tpu.memory_space<hbm>>
          %dma_start3A_107 = tpu.memref_squeeze %dma_start3A_106 : memref<1x16384xi32, #tpu.memory_space<hbm>> -> memref<16384xi32, #tpu.memory_space<hbm>>
          %dma_start3A_108 = arith.constant 0 : i32
          %dma_start3A_109 = tpu.memref_slice %arg3[%div3A_31, %dma_start3A_108] : memref<26x16384xi32, #tpu.memory_space<hbm>> -> memref<1x16384xi32, #tpu.memory_space<hbm>>
          %dma_start3A_110 = tpu.memref_squeeze %dma_start3A_109 : memref<1x16384xi32, #tpu.memory_space<hbm>> -> memref<16384xi32, #tpu.memory_space<hbm>>
          tpu.enqueue_dma source(%dma_start3A_110 : memref<16384xi32, #tpu.memory_space<hbm>>) target(%arg6 : memref<16384xi32, #tpu.memory_space<vmem>>) target_semaphore(%run_scoped3A : memref<!tpu.dma_semaphore, #tpu.memory_space<semaphore_mem>>)
          %dma_wait3A_111 = arith.constant 0 : i32
          %dma_wait3A_112 = tpu.memref_slice %arg3[%div3A_31, %dma_wait3A_111] : memref<26x16384xi32, #tpu.memory_space<hbm>> -> memref<1x16384xi32, #tpu.memory_space<hbm>>
          %dma_wait3A_113 = tpu.memref_squeeze %dma_wait3A_112 : memref<1x16384xi32, #tpu.memory_space<hbm>> -> memref<16384xi32, #tpu.memory_space<hbm>>
          %dma_wait3A_114 = arith.constant 0 : i32
          %dma_wait3A_115 = tpu.memref_slice %arg3[%div3A_31, %dma_wait3A_114] : memref<26x16384xi32, #tpu.memory_space<hbm>> -> memref<1x16384xi32, #tpu.memory_space<hbm>>
          %dma_wait3A_116 = tpu.memref_squeeze %dma_wait3A_115 : memref<1x16384xi32, #tpu.memory_space<hbm>> -> memref<16384xi32, #tpu.memory_space<hbm>>
          tpu.wait_dma2 semaphore(%run_scoped3A : memref<!tpu.dma_semaphore, #tpu.memory_space<semaphore_mem>>) src(%dma_wait3A_116 : memref<16384xi32, #tpu.memory_space<hbm>>) dst(%arg6 : memref<16384xi32, #tpu.memory_space<vmem>>)
          tpu.yield
        }) : () -> ()
      } else {
      }
      %ge3A = arith.constant 1 : i32
      %ge3A_43 = arith.cmpi sge, %scan3A_27, %ge3A : i32
      %convert_element_type3A_44 = arith.extui %ge3A_43 : i1 to i32
      %cond3A_45 = arith.constant 0 : i32
      %cond3A_46 = arith.cmpi ne, %convert_element_type3A_44, %cond3A_45 : i32
      scf.if %cond3A_46 {
        %dma_wait3A_105 = arith.constant 0 : i32
        %dma_wait3A_106 = arith.constant 0 : i32
        %dma_wait3A_107 = arith.constant 0 : i32
        %dma_wait3A_108 = arith.constant 0 : i32
        %dma_wait3A_109 = arith.constant 0 : i32
        %dma_wait3A_110 = tpu.memref_slice %arg4[%dma_wait3A_105, %dma_wait3A_106, %dma_wait3A_107, %dma_wait3A_108, %dma_wait3A_109] : memref<26x4x128x8x128xf32, #tpu.memory_space<hbm>> -> memref<1x1x64x1x128xf32, #tpu.memory_space<hbm>>
        %dma_wait3A_111 = tpu.memref_squeeze %dma_wait3A_110 : memref<1x1x64x1x128xf32, #tpu.memory_space<hbm>> -> memref<64x1x128xf32, #tpu.memory_space<hbm>>
        %dma_wait3A_112 = arith.constant 0 : i32
        %dma_wait3A_113 = arith.constant 0 : i32
        %dma_wait3A_114 = arith.constant 0 : i32
        %dma_wait3A_115 = tpu.memref_slice %arg4[%dma_wait3A_105, %dma_wait3A_106, %dma_wait3A_112, %dma_wait3A_113, %dma_wait3A_114] : memref<26x4x128x8x128xf32, #tpu.memory_space<hbm>> -> memref<1x1x64x1x128xf32, #tpu.memory_space<hbm>>
        %dma_wait3A_116 = tpu.memref_squeeze %dma_wait3A_115 : memref<1x1x64x1x128xf32, #tpu.memory_space<hbm>> -> memref<64x1x128xf32, #tpu.memory_space<hbm>>
        tpu.wait_dma2 semaphore(%arg10 : memref<!tpu.dma_semaphore, #tpu.memory_space<semaphore_mem>>) src(%arg7 : memref<64x1x128xf32, #tpu.memory_space<vmem>>) dst(%dma_wait3A_116 : memref<64x1x128xf32, #tpu.memory_space<hbm>>)
      } else {
      }
      %scan3A_47 = arith.constant 0 : i32
      %scan3A_48 = arith.constant 0 : i32
      %scan3A_49 = arith.constant 64 : i32
      %scan3A_50 = arith.addi %scan3A_48, %scan3A_49 : i32
      %scan3A_51 = arith.constant 1 : i32
      scf.for %scan3A_105 = %scan3A_48 to %scan3A_50 step %scan3A_51  : i32 {
        %mul3A_106 = arith.constant 128 : i32
        %mul3A_107 = arith.muli %scan3A_105, %mul3A_106 : i32
        %add3A_108 = arith.constant 0 : i32
        %add3A_109 = arith.addi %add3A_108, %mul3A_107 : i32
        %add3A_110 = arith.constant 0 : i32
        %add3A_111 = arith.addi %add3A_109, %add3A_110 : i32
        %get3A = arith.index_cast %add3A_111 : i32 to index
        %get3A_112 = tpu.vector_load %arg6[%get3A] {strides = array<i32>} : memref<16384xi32, #tpu.memory_space<vmem>>, vector<16xi32>,
        %gather3A = tpu.vector_load_idx %arg5[%get3A_112] : memref<100000xf32, #tpu.memory_space<vmem>>[vector<16xi32>], vector<16xf32>,
        %swap3A = arith.constant 0 : i32
        %swap3A_113 = arith.index_cast %scan3A_105 : i32 to index
        %swap3A_114 = arith.index_cast %swap3A : i32 to index
        %swap3A_115 = arith.constant 0 : index
        %swap3A_116 = tpu.vector_load %arg7[%swap3A_113, %swap3A_114, %swap3A_115] {strides = array<i32>} : memref<64x1x128xf32, #tpu.memory_space<vmem>>, vector<16xf32>,
        tpu.vector_store %arg7[%swap3A_113, %swap3A_114, %swap3A_115], %gather3A {strides = array<i32>} : memref<64x1x128xf32, #tpu.memory_space<vmem>>, vector<16xf32>,
        %mul3A_117 = arith.constant 128 : i32
        %mul3A_118 = arith.muli %scan3A_105, %mul3A_117 : i32
        %add3A_119 = arith.constant 0 : i32
        %add3A_120 = arith.addi %add3A_119, %mul3A_118 : i32
        %add3A_121 = arith.constant 16 : i32
        %add3A_122 = arith.addi %add3A_120, %add3A_121 : i32
        %get3A_123 = arith.index_cast %add3A_122 : i32 to index
        %get3A_124 = tpu.vector_load %arg6[%get3A_123] {strides = array<i32>} : memref<16384xi32, #tpu.memory_space<vmem>>, vector<16xi32>,
        %gather3A_125 = tpu.vector_load_idx %arg5[%get3A_124] : memref<100000xf32, #tpu.memory_space<vmem>>[vector<16xi32>], vector<16xf32>,
        %swap3A_126 = arith.constant 0 : i32
        %swap3A_127 = arith.index_cast %scan3A_105 : i32 to index
        %swap3A_128 = arith.index_cast %swap3A_126 : i32 to index
        %swap3A_129 = arith.constant 16 : index
        %swap3A_130 = tpu.vector_load %arg7[%swap3A_127, %swap3A_128, %swap3A_129] {strides = array<i32>} : memref<64x1x128xf32, #tpu.memory_space<vmem>>, vector<16xf32>,
        tpu.vector_store %arg7[%swap3A_127, %swap3A_128, %swap3A_129], %gather3A_125 {strides = array<i32>} : memref<64x1x128xf32, #tpu.memory_space<vmem>>, vector<16xf32>,
        %mul3A_131 = arith.constant 128 : i32
        %mul3A_132 = arith.muli %scan3A_105, %mul3A_131 : i32
        %add3A_133 = arith.constant 0 : i32
        %add3A_134 = arith.addi %add3A_133, %mul3A_132 : i32
        %add3A_135 = arith.constant 32 : i32
        %add3A_136 = arith.addi %add3A_134, %add3A_135 : i32
        %get3A_137 = arith.index_cast %add3A_136 : i32 to index
        %get3A_138 = tpu.vector_load %arg6[%get3A_137] {strides = array<i32>} : memref<16384xi32, #tpu.memory_space<vmem>>, vector<16xi32>,
        %gather3A_139 = tpu.vector_load_idx %arg5[%get3A_138] : memref<100000xf32, #tpu.memory_space<vmem>>[vector<16xi32>], vector<16xf32>,
        %swap3A_140 = arith.constant 0 : i32
        %swap3A_141 = arith.index_cast %scan3A_105 : i32 to index
        %swap3A_142 = arith.index_cast %swap3A_140 : i32 to index
        %swap3A_143 = arith.constant 32 : index
        %swap3A_144 = tpu.vector_load %arg7[%swap3A_141, %swap3A_142, %swap3A_143] {strides = array<i32>} : memref<64x1x128xf32, #tpu.memory_space<vmem>>, vector<16xf32>,
        tpu.vector_store %arg7[%swap3A_141, %swap3A_142, %swap3A_143], %gather3A_139 {strides = array<i32>} : memref<64x1x128xf32, #tpu.memory_space<vmem>>, vector<16xf32>,
        %mul3A_145 = arith.constant 128 : i32
        %mul3A_146 = arith.muli %scan3A_105, %mul3A_145 : i32
        %add3A_147 = arith.constant 0 : i32
        %add3A_148 = arith.addi %add3A_147, %mul3A_146 : i32
        %add3A_149 = arith.constant 48 : i32
        %add3A_150 = arith.addi %add3A_148, %add3A_149 : i32
        %get3A_151 = arith.index_cast %add3A_150 : i32 to index
        %get3A_152 = tpu.vector_load %arg6[%get3A_151] {strides = array<i32>} : memref<16384xi32, #tpu.memory_space<vmem>>, vector<16xi32>,
        %gather3A_153 = tpu.vector_load_idx %arg5[%get3A_152] : memref<100000xf32, #tpu.memory_space<vmem>>[vector<16xi32>], vector<16xf32>,
        %swap3A_154 = arith.constant 0 : i32
        %swap3A_155 = arith.index_cast %scan3A_105 : i32 to index
        %swap3A_156 = arith.index_cast %swap3A_154 : i32 to index
        %swap3A_157 = arith.constant 48 : index
        %swap3A_158 = tpu.vector_load %arg7[%swap3A_155, %swap3A_156, %swap3A_157] {strides = array<i32>} : memref<64x1x128xf32, #tpu.memory_space<vmem>>, vector<16xf32>,
        tpu.vector_store %arg7[%swap3A_155, %swap3A_156, %swap3A_157], %gather3A_153 {strides = array<i32>} : memref<64x1x128xf32, #tpu.memory_space<vmem>>, vector<16xf32>,
        %mul3A_159 = arith.constant 128 : i32
        %mul3A_160 = arith.muli %scan3A_105, %mul3A_159 : i32
        %add3A_161 = arith.constant 0 : i32
        %add3A_162 = arith.addi %add3A_161, %mul3A_160 : i32
        %add3A_163 = arith.constant 64 : i32
        %add3A_164 = arith.addi %add3A_162, %add3A_163 : i32
        %get3A_165 = arith.index_cast %add3A_164 : i32 to index
        %get3A_166 = tpu.vector_load %arg6[%get3A_165] {strides = array<i32>} : memref<16384xi32, #tpu.memory_space<vmem>>, vector<16xi32>,
        %gather3A_167 = tpu.vector_load_idx %arg5[%get3A_166] : memref<100000xf32, #tpu.memory_space<vmem>>[vector<16xi32>], vector<16xf32>,
        %swap3A_168 = arith.constant 0 : i32
        %swap3A_169 = arith.index_cast %scan3A_105 : i32 to index
        %swap3A_170 = arith.index_cast %swap3A_168 : i32 to index
        %swap3A_171 = arith.constant 64 : index
        %swap3A_172 = tpu.vector_load %arg7[%swap3A_169, %swap3A_170, %swap3A_171] {strides = array<i32>} : memref<64x1x128xf32, #tpu.memory_space<vmem>>, vector<16xf32>,
        tpu.vector_store %arg7[%swap3A_169, %swap3A_170, %swap3A_171], %gather3A_167 {strides = array<i32>} : memref<64x1x128xf32, #tpu.memory_space<vmem>>, vector<16xf32>,
        %mul3A_173 = arith.constant 128 : i32
        %mul3A_174 = arith.muli %scan3A_105, %mul3A_173 : i32
        %add3A_175 = arith.constant 0 : i32
        %add3A_176 = arith.addi %add3A_175, %mul3A_174 : i32
        %add3A_177 = arith.constant 80 : i32
        %add3A_178 = arith.addi %add3A_176, %add3A_177 : i32
        %get3A_179 = arith.index_cast %add3A_178 : i32 to index
        %get3A_180 = tpu.vector_load %arg6[%get3A_179] {strides = array<i32>} : memref<16384xi32, #tpu.memory_space<vmem>>, vector<16xi32>,
        %gather3A_181 = tpu.vector_load_idx %arg5[%get3A_180] : memref<100000xf32, #tpu.memory_space<vmem>>[vector<16xi32>], vector<16xf32>,
        %swap3A_182 = arith.constant 0 : i32
        %swap3A_183 = arith.index_cast %scan3A_105 : i32 to index
        %swap3A_184 = arith.index_cast %swap3A_182 : i32 to index
        %swap3A_185 = arith.constant 80 : index
        %swap3A_186 = tpu.vector_load %arg7[%swap3A_183, %swap3A_184, %swap3A_185] {strides = array<i32>} : memref<64x1x128xf32, #tpu.memory_space<vmem>>, vector<16xf32>,
        tpu.vector_store %arg7[%swap3A_183, %swap3A_184, %swap3A_185], %gather3A_181 {strides = array<i32>} : memref<64x1x128xf32, #tpu.memory_space<vmem>>, vector<16xf32>,
        %mul3A_187 = arith.constant 128 : i32
        %mul3A_188 = arith.muli %scan3A_105, %mul3A_187 : i32
        %add3A_189 = arith.constant 0 : i32
        %add3A_190 = arith.addi %add3A_189, %mul3A_188 : i32
        %add3A_191 = arith.constant 96 : i32
        %add3A_192 = arith.addi %add3A_190, %add3A_191 : i32
        %get3A_193 = arith.index_cast %add3A_192 : i32 to index
        %get3A_194 = tpu.vector_load %arg6[%get3A_193] {strides = array<i32>} : memref<16384xi32, #tpu.memory_space<vmem>>, vector<16xi32>,
        %gather3A_195 = tpu.vector_load_idx %arg5[%get3A_194] : memref<100000xf32, #tpu.memory_space<vmem>>[vector<16xi32>], vector<16xf32>,
        %swap3A_196 = arith.constant 0 : i32
        %swap3A_197 = arith.index_cast %scan3A_105 : i32 to index
        %swap3A_198 = arith.index_cast %swap3A_196 : i32 to index
        %swap3A_199 = arith.constant 96 : index
        %swap3A_200 = tpu.vector_load %arg7[%swap3A_197, %swap3A_198, %swap3A_199] {strides = array<i32>} : memref<64x1x128xf32, #tpu.memory_space<vmem>>, vector<16xf32>,
        tpu.vector_store %arg7[%swap3A_197, %swap3A_198, %swap3A_199], %gather3A_195 {strides = array<i32>} : memref<64x1x128xf32, #tpu.memory_space<vmem>>, vector<16xf32>,
        %mul3A_201 = arith.constant 128 : i32
        %mul3A_202 = arith.muli %scan3A_105, %mul3A_201 : i32
        %add3A_203 = arith.constant 0 : i32
        %add3A_204 = arith.addi %add3A_203, %mul3A_202 : i32
        %add3A_205 = arith.constant 112 : i32
        %add3A_206 = arith.addi %add3A_204, %add3A_205 : i32
        %get3A_207 = arith.index_cast %add3A_206 : i32 to index
        %get3A_208 = tpu.vector_load %arg6[%get3A_207] {strides = array<i32>} : memref<16384xi32, #tpu.memory_space<vmem>>, vector<16xi32>,
        %gather3A_209 = tpu.vector_load_idx %arg5[%get3A_208] : memref<100000xf32, #tpu.memory_space<vmem>>[vector<16xi32>], vector<16xf32>,
        %swap3A_210 = arith.constant 0 : i32
        %swap3A_211 = arith.index_cast %scan3A_105 : i32 to index
        %swap3A_212 = arith.index_cast %swap3A_210 : i32 to index
        %swap3A_213 = arith.constant 112 : index
        %swap3A_214 = tpu.vector_load %arg7[%swap3A_211, %swap3A_212, %swap3A_213] {strides = array<i32>} : memref<64x1x128xf32, #tpu.memory_space<vmem>>, vector<16xf32>,
        tpu.vector_store %arg7[%swap3A_211, %swap3A_212, %swap3A_213], %gather3A_209 {strides = array<i32>} : memref<64x1x128xf32, #tpu.memory_space<vmem>>, vector<16xf32>,
      }
      %scan3A_52 = arith.constant 64 : i32
      %div3A_53 = arith.constant 32 : i32
      %div3A_54 = arith.divsi %add3A_29, %div3A_53 : i32
      %rem3A_55 = arith.constant 32 : i32
      %rem3A_56 = arith.remsi %add3A_29, %rem3A_55 : i32
      %shift_right_logical3A = arith.constant 3 : i32
      %shift_right_logical3A_57 = arith.shrui %rem3A_56, %shift_right_logical3A : i32
      %and3A = arith.constant 7 : i32
      %and3A_58 = arith.andi %rem3A_56, %and3A : i32
      %dma_start3A_59 = arith.constant 0 : i32
      %dma_start3A_60 = arith.constant 0 : i32
      %dma_start3A_61 = tpu.memref_slice %arg4[%div3A_54, %shift_right_logical3A_57, %dma_start3A_59, %and3A_58, %dma_start3A_60] : memref<26x4x128x8x128xf32, #tpu.memory_space<hbm>> -> memref<1x1x64x1x128xf32, #tpu.memory_space<hbm>>
      %dma_start3A_62 = tpu.memref_squeeze %dma_start3A_61 : memref<1x1x64x1x128xf32, #tpu.memory_space<hbm>> -> memref<64x1x128xf32, #tpu.memory_space<hbm>>
      %dma_start3A_63 = arith.constant 0 : i32
      %dma_start3A_64 = arith.constant 0 : i32
      %dma_start3A_65 = tpu.memref_slice %arg4[%div3A_54, %shift_right_logical3A_57, %dma_start3A_63, %and3A_58, %dma_start3A_64] : memref<26x4x128x8x128xf32, #tpu.memory_space<hbm>> -> memref<1x1x64x1x128xf32, #tpu.memory_space<hbm>>
      %dma_start3A_66 = tpu.memref_squeeze %dma_start3A_65 : memref<1x1x64x1x128xf32, #tpu.memory_space<hbm>> -> memref<64x1x128xf32, #tpu.memory_space<hbm>>
      tpu.enqueue_dma source(%arg7 : memref<64x1x128xf32, #tpu.memory_space<vmem>>) target(%dma_start3A_66 : memref<64x1x128xf32, #tpu.memory_space<hbm>>) target_semaphore(%arg10 : memref<!tpu.dma_semaphore, #tpu.memory_space<semaphore_mem>>)
      %dma_wait3A_67 = arith.constant 0 : i32
      %dma_wait3A_68 = arith.constant 0 : i32
      %dma_wait3A_69 = arith.constant 0 : i32
      %dma_wait3A_70 = arith.constant 0 : i32
      %dma_wait3A_71 = arith.constant 0 : i32
      %dma_wait3A_72 = tpu.memref_slice %arg4[%dma_wait3A_67, %dma_wait3A_68, %dma_wait3A_69, %dma_wait3A_70, %dma_wait3A_71] : memref<26x4x128x8x128xf32, #tpu.memory_space<hbm>> -> memref<1x1x64x1x128xf32, #tpu.memory_space<hbm>>
      %dma_wait3A_73 = tpu.memref_squeeze %dma_wait3A_72 : memref<1x1x64x1x128xf32, #tpu.memory_space<hbm>> -> memref<64x1x128xf32, #tpu.memory_space<hbm>>
      %dma_wait3A_74 = arith.constant 0 : i32
      %dma_wait3A_75 = arith.constant 0 : i32
      %dma_wait3A_76 = arith.constant 0 : i32
      %dma_wait3A_77 = tpu.memref_slice %arg4[%dma_wait3A_67, %dma_wait3A_68, %dma_wait3A_74, %dma_wait3A_75, %dma_wait3A_76] : memref<26x4x128x8x128xf32, #tpu.memory_space<hbm>> -> memref<1x1x64x1x128xf32, #tpu.memory_space<hbm>>
      %dma_wait3A_78 = tpu.memref_squeeze %dma_wait3A_77 : memref<1x1x64x1x128xf32, #tpu.memory_space<hbm>> -> memref<64x1x128xf32, #tpu.memory_space<hbm>>
      tpu.wait_dma2 semaphore(%arg10 : memref<!tpu.dma_semaphore, #tpu.memory_space<semaphore_mem>>) src(%arg7 : memref<64x1x128xf32, #tpu.memory_space<vmem>>) dst(%dma_wait3A_78 : memref<64x1x128xf32, #tpu.memory_space<hbm>>)
      %scan3A_79 = arith.constant 0 : i32
      %scan3A_80 = arith.constant 0 : i32
      %scan3A_81 = arith.constant 64 : i32
      %scan3A_82 = arith.addi %scan3A_80, %scan3A_81 : i32
      %scan3A_83 = arith.constant 1 : i32
      scf.for %scan3A_105 = %scan3A_80 to %scan3A_82 step %scan3A_83  : i32 {
        %mul3A_106 = arith.constant 128 : i32
        %mul3A_107 = arith.muli %scan3A_105, %mul3A_106 : i32
        %add3A_108 = arith.constant 8192 : i32
        %add3A_109 = arith.addi %add3A_108, %mul3A_107 : i32
        %add3A_110 = arith.constant 0 : i32
        %add3A_111 = arith.addi %add3A_109, %add3A_110 : i32
        %get3A = arith.index_cast %add3A_111 : i32 to index
        %get3A_112 = tpu.vector_load %arg6[%get3A] {strides = array<i32>} : memref<16384xi32, #tpu.memory_space<vmem>>, vector<16xi32>,
        %gather3A = tpu.vector_load_idx %arg5[%get3A_112] : memref<100000xf32, #tpu.memory_space<vmem>>[vector<16xi32>], vector<16xf32>,
        %swap3A = arith.constant 0 : i32
        %swap3A_113 = arith.index_cast %scan3A_105 : i32 to index
        %swap3A_114 = arith.index_cast %swap3A : i32 to index
        %swap3A_115 = arith.constant 0 : index
        %swap3A_116 = tpu.vector_load %arg7[%swap3A_113, %swap3A_114, %swap3A_115] {strides = array<i32>} : memref<64x1x128xf32, #tpu.memory_space<vmem>>, vector<16xf32>,
        tpu.vector_store %arg7[%swap3A_113, %swap3A_114, %swap3A_115], %gather3A {strides = array<i32>} : memref<64x1x128xf32, #tpu.memory_space<vmem>>, vector<16xf32>,
        %mul3A_117 = arith.constant 128 : i32
        %mul3A_118 = arith.muli %scan3A_105, %mul3A_117 : i32
        %add3A_119 = arith.constant 8192 : i32
        %add3A_120 = arith.addi %add3A_119, %mul3A_118 : i32
        %add3A_121 = arith.constant 16 : i32
        %add3A_122 = arith.addi %add3A_120, %add3A_121 : i32
        %get3A_123 = arith.index_cast %add3A_122 : i32 to index
        %get3A_124 = tpu.vector_load %arg6[%get3A_123] {strides = array<i32>} : memref<16384xi32, #tpu.memory_space<vmem>>, vector<16xi32>,
        %gather3A_125 = tpu.vector_load_idx %arg5[%get3A_124] : memref<100000xf32, #tpu.memory_space<vmem>>[vector<16xi32>], vector<16xf32>,
        %swap3A_126 = arith.constant 0 : i32
        %swap3A_127 = arith.index_cast %scan3A_105 : i32 to index
        %swap3A_128 = arith.index_cast %swap3A_126 : i32 to index
        %swap3A_129 = arith.constant 16 : index
        %swap3A_130 = tpu.vector_load %arg7[%swap3A_127, %swap3A_128, %swap3A_129] {strides = array<i32>} : memref<64x1x128xf32, #tpu.memory_space<vmem>>, vector<16xf32>,
        tpu.vector_store %arg7[%swap3A_127, %swap3A_128, %swap3A_129], %gather3A_125 {strides = array<i32>} : memref<64x1x128xf32, #tpu.memory_space<vmem>>, vector<16xf32>,
        %mul3A_131 = arith.constant 128 : i32
        %mul3A_132 = arith.muli %scan3A_105, %mul3A_131 : i32
        %add3A_133 = arith.constant 8192 : i32
        %add3A_134 = arith.addi %add3A_133, %mul3A_132 : i32
        %add3A_135 = arith.constant 32 : i32
        %add3A_136 = arith.addi %add3A_134, %add3A_135 : i32
        %get3A_137 = arith.index_cast %add3A_136 : i32 to index
        %get3A_138 = tpu.vector_load %arg6[%get3A_137] {strides = array<i32>} : memref<16384xi32, #tpu.memory_space<vmem>>, vector<16xi32>,
        %gather3A_139 = tpu.vector_load_idx %arg5[%get3A_138] : memref<100000xf32, #tpu.memory_space<vmem>>[vector<16xi32>], vector<16xf32>,
        %swap3A_140 = arith.constant 0 : i32
        %swap3A_141 = arith.index_cast %scan3A_105 : i32 to index
        %swap3A_142 = arith.index_cast %swap3A_140 : i32 to index
        %swap3A_143 = arith.constant 32 : index
        %swap3A_144 = tpu.vector_load %arg7[%swap3A_141, %swap3A_142, %swap3A_143] {strides = array<i32>} : memref<64x1x128xf32, #tpu.memory_space<vmem>>, vector<16xf32>,
        tpu.vector_store %arg7[%swap3A_141, %swap3A_142, %swap3A_143], %gather3A_139 {strides = array<i32>} : memref<64x1x128xf32, #tpu.memory_space<vmem>>, vector<16xf32>,
        %mul3A_145 = arith.constant 128 : i32
        %mul3A_146 = arith.muli %scan3A_105, %mul3A_145 : i32
        %add3A_147 = arith.constant 8192 : i32
        %add3A_148 = arith.addi %add3A_147, %mul3A_146 : i32
        %add3A_149 = arith.constant 48 : i32
        %add3A_150 = arith.addi %add3A_148, %add3A_149 : i32
        %get3A_151 = arith.index_cast %add3A_150 : i32 to index
        %get3A_152 = tpu.vector_load %arg6[%get3A_151] {strides = array<i32>} : memref<16384xi32, #tpu.memory_space<vmem>>, vector<16xi32>,
        %gather3A_153 = tpu.vector_load_idx %arg5[%get3A_152] : memref<100000xf32, #tpu.memory_space<vmem>>[vector<16xi32>], vector<16xf32>,
        %swap3A_154 = arith.constant 0 : i32
        %swap3A_155 = arith.index_cast %scan3A_105 : i32 to index
        %swap3A_156 = arith.index_cast %swap3A_154 : i32 to index
        %swap3A_157 = arith.constant 48 : index
        %swap3A_158 = tpu.vector_load %arg7[%swap3A_155, %swap3A_156, %swap3A_157] {strides = array<i32>} : memref<64x1x128xf32, #tpu.memory_space<vmem>>, vector<16xf32>,
        tpu.vector_store %arg7[%swap3A_155, %swap3A_156, %swap3A_157], %gather3A_153 {strides = array<i32>} : memref<64x1x128xf32, #tpu.memory_space<vmem>>, vector<16xf32>,
        %mul3A_159 = arith.constant 128 : i32
        %mul3A_160 = arith.muli %scan3A_105, %mul3A_159 : i32
        %add3A_161 = arith.constant 8192 : i32
        %add3A_162 = arith.addi %add3A_161, %mul3A_160 : i32
        %add3A_163 = arith.constant 64 : i32
        %add3A_164 = arith.addi %add3A_162, %add3A_163 : i32
        %get3A_165 = arith.index_cast %add3A_164 : i32 to index
        %get3A_166 = tpu.vector_load %arg6[%get3A_165] {strides = array<i32>} : memref<16384xi32, #tpu.memory_space<vmem>>, vector<16xi32>,
        %gather3A_167 = tpu.vector_load_idx %arg5[%get3A_166] : memref<100000xf32, #tpu.memory_space<vmem>>[vector<16xi32>], vector<16xf32>,
        %swap3A_168 = arith.constant 0 : i32
        %swap3A_169 = arith.index_cast %scan3A_105 : i32 to index
        %swap3A_170 = arith.index_cast %swap3A_168 : i32 to index
        %swap3A_171 = arith.constant 64 : index
        %swap3A_172 = tpu.vector_load %arg7[%swap3A_169, %swap3A_170, %swap3A_171] {strides = array<i32>} : memref<64x1x128xf32, #tpu.memory_space<vmem>>, vector<16xf32>,
        tpu.vector_store %arg7[%swap3A_169, %swap3A_170, %swap3A_171], %gather3A_167 {strides = array<i32>} : memref<64x1x128xf32, #tpu.memory_space<vmem>>, vector<16xf32>,
        %mul3A_173 = arith.constant 128 : i32
        %mul3A_174 = arith.muli %scan3A_105, %mul3A_173 : i32
        %add3A_175 = arith.constant 8192 : i32
        %add3A_176 = arith.addi %add3A_175, %mul3A_174 : i32
        %add3A_177 = arith.constant 80 : i32
        %add3A_178 = arith.addi %add3A_176, %add3A_177 : i32
        %get3A_179 = arith.index_cast %add3A_178 : i32 to index
        %get3A_180 = tpu.vector_load %arg6[%get3A_179] {strides = array<i32>} : memref<16384xi32, #tpu.memory_space<vmem>>, vector<16xi32>,
        %gather3A_181 = tpu.vector_load_idx %arg5[%get3A_180] : memref<100000xf32, #tpu.memory_space<vmem>>[vector<16xi32>], vector<16xf32>,
        %swap3A_182 = arith.constant 0 : i32
        %swap3A_183 = arith.index_cast %scan3A_105 : i32 to index
        %swap3A_184 = arith.index_cast %swap3A_182 : i32 to index
        %swap3A_185 = arith.constant 80 : index
        %swap3A_186 = tpu.vector_load %arg7[%swap3A_183, %swap3A_184, %swap3A_185] {strides = array<i32>} : memref<64x1x128xf32, #tpu.memory_space<vmem>>, vector<16xf32>,
        tpu.vector_store %arg7[%swap3A_183, %swap3A_184, %swap3A_185], %gather3A_181 {strides = array<i32>} : memref<64x1x128xf32, #tpu.memory_space<vmem>>, vector<16xf32>,
        %mul3A_187 = arith.constant 128 : i32
        %mul3A_188 = arith.muli %scan3A_105, %mul3A_187 : i32
        %add3A_189 = arith.constant 8192 : i32
        %add3A_190 = arith.addi %add3A_189, %mul3A_188 : i32
        %add3A_191 = arith.constant 96 : i32
        %add3A_192 = arith.addi %add3A_190, %add3A_191 : i32
        %get3A_193 = arith.index_cast %add3A_192 : i32 to index
        %get3A_194 = tpu.vector_load %arg6[%get3A_193] {strides = array<i32>} : memref<16384xi32, #tpu.memory_space<vmem>>, vector<16xi32>,
        %gather3A_195 = tpu.vector_load_idx %arg5[%get3A_194] : memref<100000xf32, #tpu.memory_space<vmem>>[vector<16xi32>], vector<16xf32>,
        %swap3A_196 = arith.constant 0 : i32
        %swap3A_197 = arith.index_cast %scan3A_105 : i32 to index
        %swap3A_198 = arith.index_cast %swap3A_196 : i32 to index
        %swap3A_199 = arith.constant 96 : index
        %swap3A_200 = tpu.vector_load %arg7[%swap3A_197, %swap3A_198, %swap3A_199] {strides = array<i32>} : memref<64x1x128xf32, #tpu.memory_space<vmem>>, vector<16xf32>,
        tpu.vector_store %arg7[%swap3A_197, %swap3A_198, %swap3A_199], %gather3A_195 {strides = array<i32>} : memref<64x1x128xf32, #tpu.memory_space<vmem>>, vector<16xf32>,
        %mul3A_201 = arith.constant 128 : i32
        %mul3A_202 = arith.muli %scan3A_105, %mul3A_201 : i32
        %add3A_203 = arith.constant 8192 : i32
        %add3A_204 = arith.addi %add3A_203, %mul3A_202 : i32
        %add3A_205 = arith.constant 112 : i32
        %add3A_206 = arith.addi %add3A_204, %add3A_205 : i32
        %get3A_207 = arith.index_cast %add3A_206 : i32 to index
        %get3A_208 = tpu.vector_load %arg6[%get3A_207] {strides = array<i32>} : memref<16384xi32, #tpu.memory_space<vmem>>, vector<16xi32>,
        %gather3A_209 = tpu.vector_load_idx %arg5[%get3A_208] : memref<100000xf32, #tpu.memory_space<vmem>>[vector<16xi32>], vector<16xf32>,
        %swap3A_210 = arith.constant 0 : i32
        %swap3A_211 = arith.index_cast %scan3A_105 : i32 to index
        %swap3A_212 = arith.index_cast %swap3A_210 : i32 to index
        %swap3A_213 = arith.constant 112 : index
        %swap3A_214 = tpu.vector_load %arg7[%swap3A_211, %swap3A_212, %swap3A_213] {strides = array<i32>} : memref<64x1x128xf32, #tpu.memory_space<vmem>>, vector<16xf32>,
        tpu.vector_store %arg7[%swap3A_211, %swap3A_212, %swap3A_213], %gather3A_209 {strides = array<i32>} : memref<64x1x128xf32, #tpu.memory_space<vmem>>, vector<16xf32>,
      }
      %scan3A_84 = arith.constant 64 : i32
      %lt3A = arith.constant 25 : i32
      %lt3A_85 = arith.cmpi slt, %scan3A_27, %lt3A : i32
      %convert_element_type3A_86 = arith.extui %lt3A_85 : i1 to i32
      %cond3A_87 = arith.constant 0 : i32
      %cond3A_88 = arith.cmpi ne, %convert_element_type3A_86, %cond3A_87 : i32
      scf.if %cond3A_88 {
        %add3A_105 = arith.constant 1 : i32
        %add3A_106 = arith.addi %add3A_29, %add3A_105 : i32
        %div3A_107 = arith.constant 32 : i32
        %div3A_108 = arith.divsi %add3A_106, %div3A_107 : i32
        %rem3A_109 = arith.constant 32 : i32
        %rem3A_110 = arith.remsi %add3A_106, %rem3A_109 : i32
        %dma_start3A_111 = arith.constant 0 : i32
        %dma_start3A_112 = tpu.memref_slice %arg2[%div3A_108, %rem3A_110, %dma_start3A_111] : memref<26x32x100000xf32, #tpu.memory_space<hbm>> -> memref<1x1x100000xf32, #tpu.memory_space<hbm>>
        %dma_start3A_113 = tpu.memref_squeeze %dma_start3A_112 : memref<1x1x100000xf32, #tpu.memory_space<hbm>> -> memref<100000xf32, #tpu.memory_space<hbm>>
        %dma_start3A_114 = arith.constant 0 : i32
        %dma_start3A_115 = tpu.memref_slice %arg2[%div3A_108, %rem3A_110, %dma_start3A_114] : memref<26x32x100000xf32, #tpu.memory_space<hbm>> -> memref<1x1x100000xf32, #tpu.memory_space<hbm>>
        %dma_start3A_116 = tpu.memref_squeeze %dma_start3A_115 : memref<1x1x100000xf32, #tpu.memory_space<hbm>> -> memref<100000xf32, #tpu.memory_space<hbm>>
        tpu.enqueue_dma source(%dma_start3A_116 : memref<100000xf32, #tpu.memory_space<hbm>>) target(%arg5 : memref<100000xf32, #tpu.memory_space<vmem>>) target_semaphore(%arg8 : memref<!tpu.dma_semaphore, #tpu.memory_space<semaphore_mem>>)
      } else {
      }
      %div3A_89 = arith.constant 32 : i32
      %div3A_90 = arith.divsi %add3A_29, %div3A_89 : i32
      %rem3A_91 = arith.constant 32 : i32
      %rem3A_92 = arith.remsi %add3A_29, %rem3A_91 : i32
      %shift_right_logical3A_93 = arith.constant 3 : i32
      %shift_right_logical3A_94 = arith.shrui %rem3A_92, %shift_right_logical3A_93 : i32
      %and3A_95 = arith.constant 7 : i32
      %and3A_96 = arith.andi %rem3A_92, %and3A_95 : i32
      %dma_start3A_97 = arith.constant 64 : i32
      %dma_start3A_98 = arith.constant 0 : i32
      %dma_start3A_99 = tpu.memref_slice %arg4[%div3A_90, %shift_right_logical3A_94, %dma_start3A_97, %and3A_96, %dma_start3A_98] : memref<26x4x128x8x128xf32, #tpu.memory_space<hbm>> -> memref<1x1x64x1x128xf32, #tpu.memory_space<hbm>>
      %dma_start3A_100 = tpu.memref_squeeze %dma_start3A_99 : memref<1x1x64x1x128xf32, #tpu.memory_space<hbm>> -> memref<64x1x128xf32, #tpu.memory_space<hbm>>
      %dma_start3A_101 = arith.constant 64 : i32
      %dma_start3A_102 = arith.constant 0 : i32
      %dma_start3A_103 = tpu.memref_slice %arg4[%div3A_90, %shift_right_logical3A_94, %dma_start3A_101, %and3A_96, %dma_start3A_102] : memref<26x4x128x8x128xf32, #tpu.memory_space<hbm>> -> memref<1x1x64x1x128xf32, #tpu.memory_space<hbm>>
      %dma_start3A_104 = tpu.memref_squeeze %dma_start3A_103 : memref<1x1x64x1x128xf32, #tpu.memory_space<hbm>> -> memref<64x1x128xf32, #tpu.memory_space<hbm>>
      tpu.enqueue_dma source(%arg7 : memref<64x1x128xf32, #tpu.memory_space<vmem>>) target(%dma_start3A_104 : memref<64x1x128xf32, #tpu.memory_space<hbm>>) target_semaphore(%arg10 : memref<!tpu.dma_semaphore, #tpu.memory_space<semaphore_mem>>)
      scf.yield %div3A_31 : i32
    }
    %scan3A_15 = arith.constant 26 : i32
    %dma_wait3A = arith.constant 0 : i32
    %dma_wait3A_16 = arith.constant 0 : i32
    %dma_wait3A_17 = arith.constant 0 : i32
    %dma_wait3A_18 = arith.constant 0 : i32
    %dma_wait3A_19 = arith.constant 0 : i32
    %dma_wait3A_20 = tpu.memref_slice %arg4[%dma_wait3A, %dma_wait3A_16, %dma_wait3A_17, %dma_wait3A_18, %dma_wait3A_19] : memref<26x4x128x8x128xf32, #tpu.memory_space<hbm>> -> memref<1x1x64x1x128xf32, #tpu.memory_space<hbm>>
    %dma_wait3A_21 = tpu.memref_squeeze %dma_wait3A_20 : memref<1x1x64x1x128xf32, #tpu.memory_space<hbm>> -> memref<64x1x128xf32, #tpu.memory_space<hbm>>
    %dma_wait3A_22 = arith.constant 0 : i32
    %dma_wait3A_23 = arith.constant 0 : i32
    %dma_wait3A_24 = arith.constant 0 : i32
    %dma_wait3A_25 = tpu.memref_slice %arg4[%dma_wait3A, %dma_wait3A_16, %dma_wait3A_22, %dma_wait3A_23, %dma_wait3A_24] : memref<26x4x128x8x128xf32, #tpu.memory_space<hbm>> -> memref<1x1x64x1x128xf32, #tpu.memory_space<hbm>>
    %dma_wait3A_26 = tpu.memref_squeeze %dma_wait3A_25 : memref<1x1x64x1x128xf32, #tpu.memory_space<hbm>> -> memref<64x1x128xf32, #tpu.memory_space<hbm>>
    tpu.wait_dma2 semaphore(%arg10 : memref<!tpu.dma_semaphore, #tpu.memory_space<semaphore_mem>>) src(%arg7 : memref<64x1x128xf32, #tpu.memory_space<vmem>>) dst(%dma_wait3A_26 : memref<64x1x128xf32, #tpu.memory_space<hbm>>)
    return
  }
}

</mosaic_0001>

<sc_bundles>
// kernel: kernel.3.cloned.1.call-start
scs
__scs_entry_jumppad:
0x0: {  	(pc) =	sbr.rel $0x88, $3  }
0x1: {  	(tag) =	ssettag $0x0;
	lr =	simm.s32 $0x1  }
0x2: {  	[smem:$0x3F9F] =	sst lr;
	_ =	strace $0xD0000000  }
0x3: {  	_ = 	snop  }
0x4: {  	_ = 	snop  }
0x5: {  	_ = 	snop  }
0x6: {  	_ = 	snop  }
0x7: {  	_ = 	snop  }
__scs_overlays_trampoline_lowered:
0x8: {  	[smem:$0x3FAE] =	sst s0  }
0x9: {  	[smem:$0x3FAF] =	sst s1  }
0xa: {  	[smem:$0x3FB0] =	sst s2  }
0xb: {  	[smem:$0x3FB1] =	sst s3  }
0xc: {  	[smem:$0x3FB2] =	sst s4  }
0xd: {  	[smem:$0x3FB3] =	sst s5  }
0xe: {  	[smem:$0x3FB4] =	sst s6  }
0xf: {  	[smem:$0x3FB5] =	sst s7  }
0x10: {  	[smem:$0x3FB6] =	sst s8  }
0x11: {  	[smem:$0x3FB7] =	sst s9;
	s0 =	simm.s32 @!p0 $0x0  }
0x12: {  	s1 =	sld [smem:$0x3F9D];
	s0 =	simm.s32 @p0 $0x1  }
0x13: {  	[smem:$0x3FB8] =	sst s0;
	s0 =	simm.s32 @!p1 $0x0  }
0x14: {  	s2 =	sld [smem:$0x3F9C];
	s0 =	simm.s32 @p1 $0x1  }
0x15: {  	[smem:$0x3FB9] =	sst s0;
	s0 =	simm.s32 @!p2 $0x0  }
0x16: {  	s3 =	sld [smem:$0x3FDB];
	s0 =	simm.s32 @p2 $0x1  }
0x17: {  	s4 =	simm.s32 $0x1BF5;
	[smem:$0x3FBB] =	sst s0  }
0x18: {  	s0 =	sld [smem:$0x3F9E];
	_ =	swait.ge [sflag:s4], $0x0  }
0x19: {  	s7 =	sld [smem:$0x3F9F]  }
0x1a: {  	s8 =	sadd.s32 $0xFFFFE003, lr  }
0x1b: {  	s9 =	sadd.s32 $0xFFFFFEF7, lr;
	s5 =	simm.s32 $0xFFFFFFFF;
	p2 =	slt.u32 s8, $0xFFFFF086  }
0x1c: {  	p1 =	slt.u32 s9, $0xF7A;
	s5 =	simm.s32 @!p2 $0x0  }
0x1d: {  	s5 =	simm.s32 @p1 $0x1;
	p0 =	seq.s32 s7, s2  }
0x1e: {  	s7 =	smul.u32 @!p0 $0xF7A, s2;
	p2 =	seq.s32 @!p0 s5, $0x0  }
0x1f: {  	s9 =	smul.u32 $0xF7A, s1;
	s8 =	simm.s32 @!p0 $0x1BF5;
	p2 =	por !p2, p0  }
0x20: {  	[sflag:s8] =	ssyncset.s32 @!p0 $0xFFFFF086;
	s6 =	sadd.s32 @!p0 s3, s7;
	s7 =	simm.s32 @!p0 $0x108  }
0x21: {  	s3 =	sadd.s32 s3, s9;
	s6 =	sadd.s32 @!p0 $0x88, s6;
	s7 =	simm.s32 @p2 $0x1082  }
0x22: {  	[simem:s7], [sflag:s8] =	dma.local @!p0 [hbm:s6], $0xF7A  }
0x23: {  	s9 =	sor.u32 $0xD0000000, s2;
	s6 =	simm.s32 $0x108;
	_ =	swait.ge @!p0 [sflag:s8], $0x0  }
0x24: {  	s3 =	sadd.s32 $0x88, s3;
	s6 =	simm.s32 @!p1 $0x1082;
	[sflag:s4] =	ssyncset.s32 $0xFFFFF086  }
0x25: {  	[simem:s6], [sflag:s4] =	dma.local [hbm:s3], $0xF7A  }
0x26: {  	[smem:$0x3F9F] =	sst s1;
	(tag) =	ssettag s2;
	_ =	strace s9  }
0x27: {  	s1 =	sld [smem:$0x3FAF]  }
0x28: {  	s2 =	sld [smem:$0x3FB0]  }
0x29: {  	s4 =	sld [smem:$0x3FB2]  }
0x2a: {  	p0 =	seq.s32 s5, $0x0;
	s5 =	sld [smem:$0x3FB3]  }
0x2b: {  	s6 =	sld [smem:$0x3FB4]  }
0x2c: {  	s7 =	sld [smem:$0x3FB5]  }
0x2d: {  	s3 =	simm.s32 $0x108;
	s8 =	sld [smem:$0x3FB6]  }
0x2e: {  	s3 =	simm.s32 @!p0 $0x1082;
	s9 =	sld [smem:$0x3FB7]  }
0x2f: {  	lr =	sadd.s32 s0, s3;
	s0 =	sld [smem:$0x3FAE]  }
0x30: {  	s3 =	sld [smem:$0x3FB1]  }
0x31: {  	[smem:$0x3FBA] =	sst s10  }
0x32: {  	s10 =	sld [smem:$0x3FB8];
	_ =	sdelay $0x3  }
0x33: {  	p0 =	seq.s32 s10, $0x1;
	s10 =	sld [smem:$0x3FBA];
	_ =	sdelay $0x3  }
0x34: {  	[smem:$0x3FBA] =	sst s10  }
0x35: {  	s10 =	sld [smem:$0x3FB9];
	_ =	sdelay $0x3  }
0x36: {  	p1 =	seq.s32 s10, $0x1;
	s10 =	sld [smem:$0x3FBA];
	_ =	sdelay $0x3  }
0x37: {  	[smem:$0x3FBA] =	sst s10  }
0x38: {  	s10 =	sld [smem:$0x3FBB]  }
0x39: {  	_ = 	snop;
	(pc) =	sbr.ind lr, $3  }
0x3a: {  	_ = 	snop  }
0x3b: {  	_ = 	snop  }
0x3c: {  	p2 =	seq.s32 s10, $0x1;
	s10 =	sld [smem:$0x3FBA]  }
0x3d: {  	_ =	shalt  }
0x3e: {  	_ =	shalt  }
0x3f: {  	_ =	shalt  }
0x40: {  	_ =	shalt  }
0x41: {  	_ =	shalt  }
0x42: {  	_ =	shalt  }
0x43: {  	_ =	shalt  }
0x44: {  	_ =	shalt  }
0x45: {  	_ =	shalt  }
0x46: {  	_ =	shalt  }
0x47: {  	_ =	shalt  }
0x48: {  	_ =	shalt  }
0x49: {  	_ =	shalt  }
0x4a: {  	_ =	shalt  }
0x4b: {  	_ =	shalt  }
0x4c: {  	_ =	shalt  }
0x4d: {  	_ =	shalt  }
0x4e: {  	_ =	shalt  }
0x4f: {  	_ =	shalt  }
0x50: {  	_ =	shalt  }
0x51: {  	_ =	shalt  }
0x52: {  	_ =	shalt  }
0x53: {  	_ =	shalt  }
0x54: {  	_ =	shalt  }
0x55: {  	_ =	shalt  }
0x56: {  	_ =	shalt  }
0x57: {  	_ =	shalt  }
0x58: {  	_ =	shalt  }
0x59: {  	_ =	shalt  }
0x5a: {  	_ =	shalt  }
0x5b: {  	_ =	shalt  }
0x5c: {  	_ =	shalt  }
0x5d: {  	_ =	shalt  }
0x5e: {  	_ =	shalt  }
0x5f: {  	_ =	shalt  }
0x60: {  	_ =	shalt  }
0x61: {  	_ =	shalt  }
0x62: {  	_ =	shalt  }
0x63: {  	_ =	shalt  }
0x64: {  	_ =	shalt  }
0x65: {  	_ =	shalt  }
0x66: {  	_ =	shalt  }
0x67: {  	_ =	shalt  }
0x68: {  	_ =	shalt  }
0x69: {  	_ =	shalt  }
0x6a: {  	_ =	shalt  }
0x6b: {  	_ =	shalt  }
0x6c: {  	_ =	shalt  }
0x6d: {  	_ =	shalt  }
0x6e: {  	_ =	shalt  }
0x6f: {  	_ =	shalt  }
0x70: {  	_ =	shalt  }
0x71: {  	_ =	shalt  }
0x72: {  	_ =	shalt  }
0x73: {  	_ =	shalt  }
0x74: {  	_ =	shalt  }
0x75: {  	_ =	shalt  }
0x76: {  	_ =	shalt  }
0x77: {  	_ =	shalt  }
0x78: {  	_ =	shalt  }
0x79: {  	_ =	shalt  }
0x7a: {  	_ =	shalt  }
0x7b: {  	_ =	shalt  }
0x7c: {  	_ =	shalt  }
0x7d: {  	_ =	shalt  }
0x7e: {  	_ =	shalt  }
0x7f: {  	_ =	shalt  }
0x80: {  	_ =	shalt  }
0x81: {  	_ =	shalt  }
0x82: {  	_ =	shalt  }
0x83: {  	_ =	shalt  }
0x84: {  	_ =	shalt  }
0x85: {  	_ =	shalt  }
0x86: {  	_ =	shalt  }
0x87: {  	_ =	shalt  }
.Lfunc_end0:
.L_simem_size_0:
called_computation_lowered:
.L_overlay_start_0:
0x88: {  	s2 =	sld [smem:$0x3FD9]  }
0x89: {  	s3 =	sld [smem:$0x3FFE];
	_ =	sdelay $0x1  }
0x8a: {  	s1 =	srdreg.scid  }
0x8b: {  	s0 =	sand.u32 $0x1, s1  }
0x8c: {  	s18 =	sshll.u32 s0, $0xA;
	s2 =	sadd.s32 s3, s2  }
0x8d: {  	s2 =	sadd.s32 s2, s18  }
0x8e: {  	[smem:$0x3FC6] =	sst s2  }
0x8f: {  	_ = 	snop  }
0x90: {  	s2 =	sld [smem:$0x3FC9]  }
0x91: {  	s19 =	sld [smem:$0x3FC8]  }
0x92: {  	s4 =	sld [smem:$0x3FD0];
	(tm) =	ssettm $0x1  }
0x93: {  	s5 =	sld [smem:$0x3FFB];
	_ =	sdelay $0x3  }
0x94: {  	_ =	strace s5  }
0x95: {  	s5 =	sld [smem:$0x3FFC];
	_ =	sdelay $0x3  }
0x96: {  	_ =	strace s5  }
0x97: {  	s5 =	sld [smem:$0x3FFD];
	_ =	sdelay $0x3  }
0x98: {  	_ =	strace s5  }
0x99: {  	_ =	strace $0x8FFFFFFF  }
0x9a: {  	s20 =	sld [smem:$0x3FDB];
	_ =	sdelay $0x1  }
0x9b: {  	s6 =	simm.s32 $_scs_section_size  }
0x9c: {  	s7 =	simm.s32 $_size__tile_overlayer_lowered;
	s8 =	simm.s32 $_tile_overlayer_lowered  }
0x9d: {  	s23 =	simm.s32 $0x1BFF;
	s22 =	sshll.u32 s8, $0x1;
	s5 =	sadd.s32 s6, s20  }
0x9e: {  	s9 =	simm.s32 $0x0;
	s21 =	sshll.u32 s7, $0x1;
	s7 =	sadd.s32 s22, s5  }
0x9f: {  	[timem:s9], [sflag:s23] =	dma.local [hbm:s7], s21  }
0xa0: {  	_ =	swait.ge [sflag:s23], s21  }
0xa1: {  	s6 =	ssub.s32 $0x0, s21;
	[sflag:s23] =	ssyncset.done $0x0  }
0xa2: {  	[sflag:s23] =	ssyncadd.s32 s6;
	_ =	sdelay $0x1  }
0xa3: {  	s24 =	simm.s32 $0x1B8B  }
0xa4: {  	_ =	swait.ge [sflag:s24], $0x1  }
0xa5: {  	[sflag:s24] =	ssyncset.done $0x0  }
0xa6: {  	s25 =	simm.s32 $0x1B8E;
	[sflag:s24] =	ssyncadd.s32 $0xFFFFFFFF  }
0xa7: {  	s26 =	simm.s32 $execute0_lowered;
	[smem:$0x3FD2] =	sst s25  }
0xa8: {  	s6 =	sshll.u32 s26, $0x1;
	_ =	strace $0x80000046;
	[dreg:$0x1] =	wrdreg $0xFFFFFFFF  }
0xa9: {  	s28 =	simm.s32 $_size_execute0_lowered;
	s5 =	sadd.s32 s5, s6;
	[dreg:$0x0] =	wrdreg $0x0  }
0xaa: {  	s6 =	sshll.u32 s28, $0x1;
	[dreg:$0x2] =	wrdreg s5  }
0xab: {  	[dreg:$0x3] =	wrdreg s6  }
0xac: {  	[dreg:$0x4] =	wrdreg $0xC0  }
0xad: {  	_ =	task [dreg:s9], $0x5FFFF  }
0xae: {  	[dreg:$0x1] =	wrdreg $0xFFFFFFFF  }
0xaf: {  	[dreg:$0x0] =	wrdreg $0x60  }
0xb0: {  	[dreg:$0x2] =	wrdreg s19  }
0xb1: {  	[dreg:$0x3] =	wrdreg s2  }
0xb2: {  	[dreg:$0x4] =	wrdreg s4  }
0xb3: {  	[dreg:$0x5] =	wrdreg $0x9  }
0xb4: {  	_ =	task.clear_ibuf [dreg:s9], $0x6FFFF;
	_ =	strace $0x90000046  }
0xb5: {  	s29 =	simm.s32 $0x9;
	_ =	strace $0x80000048  }
0xb6: {  	_ =	swait.ge [sflag:s29], $0x1  }
0xb7: {  	[sflag:s29] =	ssyncadd.s32 $0xFFFFFFFF  }
0xb8: {  	_ =	strace $0x90000048  }
0xb9: {  	_ =	sfence  }
0xba: {  	s30 =	sld [smem:$0x0];
	_ =	sdelay $0x2  }
0xbb: {  	s31 =	sshll.u32 s1, $0xD;
	s1 =	sshrl.u32 s1, $0x2  }
0xbc: {  	s3 =	sand.u32 $0x4000, s31;
	s1 =	sadd.s32 s1, s30  }
0xbd: {  	s0 =	sor.u32 s3, s0;
	s1 =	sshll.u32 s1, $0x11  }
0xbe: {  	s0 =	sor.u32 s1, s0  }
0xbf: {  	s0 =	sadd.s32 $0x8F2B, s0  }
0xc0: {  	[sflag:s0] =	ssyncadd.remote.s32 $0x1  }
0xc1: {  	_ =	sfence.sel $0xFFFF  }
0xc2: {  	[dreg:$0x0] =	wrdreg $0xFFFFFFFF;
	(pc) =	sbr.abs _section_cstart, $3  }
0xc3: {  	[dreg:$0x1] =	wrdreg $0xFFFFFFFF  }
0xc4: {  	_ =	task.clear_ibuf [dreg:s9], $0x2FFFF;
	_ =	strace $0x9FFFFFFF  }
0xc5: {  	(tm) =	ssettm $0x7FFFFFFF  }
tec
execute0_lowered:
.L_overlay_start_1:
0x0: {  	(tag) =	ssettag $0x1  }
0x1: {  	s1 =	srdreg.scid;
	s0 =	stileid.u32  }
0x2: {  	s7 =	sand.u32 $0x1, s1;
	s25 =	sshll.u32 s0, $0x1  }
0x3: {  	s2 =	rddreg [dreg:$0x0];
	s1 =	sor.u32 s7, s25  }
0x4: {  	s4 =	rddreg [dreg:$0x1];
	s1 =	smul.u32 $0x1A, s1  }
0x5: {  	s6 =	simm.s32 $0x0;
	s11 =	simm.s32 $0x400;
	s12 =	simm.s32 $0x1  }
0x6: {  	s13 =	simm.s32 $0x1C700;
	s3 =	sshrl.u32 s1, $0x5;
	s5 =	sand.u32 $0x18, s1  }
0x7: {  	s14 =	simm.s32 $0x2;
	s8 =	smul.u32 $0x30E000, s3;
	s26 =	sshrl.u32 s5, $0x3  }
0x8: {  	s15 =	simm.s32 $0x0;
	s7 =	ssub.s32 $0x2, s7;
	s9 =	smul.u32 $0xC3800, s26  }
0x9: {  	[smem:$0x7FF] =	sst s6;
	s29 =	sshrl.u32 s7, $0x1;
	s10 =	sshll.u32 s1, $0x7  }
0xa: {  	s5 =	rddreg [dreg:$0x2];
	s28 =	sand.u32 $0x300, s10;
	s8 =	sadd.s32 s8, s9  }
0xb: {  	s30 =	ssub.s32 s7, s29;
	s3 =	rddreg [dreg:$0x3];
	s8 =	sor.u32 s28, s8  }
0xc: {  	_ =	strace $0x80000047;
	s10 =	simm.s32 $0x80;
	s31 =	sshrl.u32 s8, $0x3  }
0xd: {  	s9 =	smax.u32 s30, $0x1;
	s8 =	sadd.s32 $0x2000, s5;
	s7 =	sadd.s32 s2, s31  }
.LBB2_1:
0xe: {  	[tilespmem:s6], [sflag:$0x1] =	stream.strided.gather [hbm4b:s7+s10], $0x18700, s11, s10, $0x38;
	[tilespmem:$0x1E700] =	vst v63  }
0xf: {  	s17 =	simm.s32 $0xFFFFFFFF;
	s16 =	simm.s32 $0x0  }
.LBB2_2:
0x10: {  	s18 =	sadd.s32 s1, s16  }
0x11: {  	s19 =	smov.u32 s17;
	s17 =	sshrl.u32 s18, $0x5  }
0x12: {  	_ =	swait.ge [sflag:s12], $0x18700;
	p0 =	seq.s32 s17, s19  }
0x13: {  	[sflag:s12] =	ssyncset.done $0x0;
	s19 =	sshll.u32 @!p0 s17, $0x4  }
0x14: {  	[sflag:s12] =	ssyncadd.s32 $0xFFFE7900;
	s20 =	sshll.u32 @!p0 s17, $0xB;
	s19 =	sand.u32 @!p0 $0x70, s19  }
0x15: {  	s21 =	simm.s32 @!p0 $0x400;
	s20 =	sand.u32 @!p0 $0xFFFC000, s20;
	s19 =	sadd.s32 @!p0 s4, s19  }
0x16: {  	s22 =	simm.s32 @!p0 $0x18700;
	s19 =	sadd.s32 @!p0 s20, s19;
	s20 =	simm.s32 @!p0 $0x80  }
0x17: {  	[tilespmem:s22], [sflag:$0x3] =	stream.strided.gather @!p0 [hbm4b:s19+s20], $0x4000, s21, s20, $0x38;
	[tilespmem:$0x1E700] =	vst v63  }
0x18: {  	s19 =	simm.s32 @!p0 $0x3  }
0x19: {  	_ =	swait.ge @!p0 [sflag:s19], $0x4000  }
0x1a: {  	p1 =	seq.s32 s16, $0x0;
	[sflag:s19] =	ssyncset.done @!p0 $0x0  }
0x1b: {  	[sflag:s19] =	ssyncadd.s32 @!p0 $0xFFFFC000;
	s19 =	simm.s32 @!p1 $0x2  }
0x1c: {  	_ =	swait.ge @!p1 [sflag:s19], $0x2000  }
0x1d: {  	[sflag:s19] =	ssyncset.done @!p1 $0x0  }
0x1e: {  	s20 =	simm.s32 $0x0;
	[sflag:s19] =	ssyncadd.s32 @!p1 $0xFFFFE000  }
0x1f: {  	v0 =	vld [tilespmem:s20+$0x18700];
	_ =	sdelay $0x5  }
0x20: {  	v1 =	vld [tilespmem:s20+$0x18710];
	_ =	sdelay $0x1  }
0x21: {  	v0 =	vld.idx.msk [tilespmem:v0+s6+$0x0], $0xffff;
	_ =	sdelay $0x4  }
0x22: {  	[tilespmem:s20+$0x1C700] =	vst v0;
	v0 =	vld [tilespmem:s20+$0x18720]  }
0x23: {  	v1 =	vld.idx.msk [tilespmem:v1+s6+$0x0], $0xffff;
	_ =	sdelay $0x4  }
0x24: {  	[tilespmem:s20+$0x1C710] =	vst v1;
	v1 =	vld [tilespmem:s20+$0x18730];
	_ =	sdelay $0x1  }
0x25: {  	v0 =	vld.idx.msk [tilespmem:v0+s6+$0x0], $0xffff;
	_ =	sdelay $0x4  }
0x26: {  	[tilespmem:s20+$0x1C720] =	vst v0;
	v0 =	vld [tilespmem:s20+$0x18740]  }
0x27: {  	v1 =	vld.idx.msk [tilespmem:v1+s6+$0x0], $0xffff;
	_ =	sdelay $0x4  }
0x28: {  	[tilespmem:s20+$0x1C730] =	vst v1;
	v1 =	vld [tilespmem:s20+$0x18750];
	_ =	sdelay $0x1  }
0x29: {  	v0 =	vld.idx.msk [tilespmem:v0+s6+$0x0], $0xffff;
	_ =	sdelay $0x4  }
0x2a: {  	v2 =	vld [tilespmem:s20+$0x18760];
	[tilespmem:s20+$0x1C740] =	vst v0  }
0x2b: {  	v0 =	vld.idx.msk [tilespmem:v1+s6+$0x0], $0xffff;
	_ =	sdelay $0x4  }
0x2c: {  	[tilespmem:s20+$0x1C750] =	vst v0;
	v0 =	vld [tilespmem:s20+$0x18770];
	_ =	sdelay $0x1  }
0x2d: {  	v1 =	vld.idx.msk [tilespmem:v2+s6+$0x0], $0xffff;
	_ =	sdelay $0x3  }
0x2e: {  	s22 =	simm.s32 $0x80;
	s21 =	simm.s32 $0x400;
	s19 =	sand.u32 $0x1F, s18  }
.LBB2_3:
0x2f: {  	p0 =	sne.s32 s21, $0x7E00;
	v2 =	vld [tilespmem:s22+$0x18700];
	[tilespmem:s20+$0x1C760] =	vst v1  }
0x30: {  	v0 =	vld.idx.msk [tilespmem:v0+s6+$0x0], $0xffff;
	_ =	sdelay $0x5  }
0x31: {  	v1 =	vld [tilespmem:s22+$0x18710];
	[tilespmem:s20+$0x1C770] =	vst v0;
	s20 =	smov.u32 s22  }
0x32: {  	v0 =	vld.idx.msk [tilespmem:v2+s6+$0x0], $0xffff;
	_ =	sdelay $0x5  }
0x33: {  	[tilespmem:s20+$0x1C700] =	vst v0;
	v0 =	vld [tilespmem:s20+$0x18720]  }
0x34: {  	v1 =	vld.idx.msk [tilespmem:v1+s6+$0x0], $0xffff;
	_ =	sdelay $0x5  }
0x35: {  	[tilespmem:s20+$0x1C710] =	vst v1;
	v1 =	vld [tilespmem:s20+$0x18730]  }
0x36: {  	v0 =	vld.idx.msk [tilespmem:v0+s6+$0x0], $0xffff;
	_ =	sdelay $0x5  }
0x37: {  	[tilespmem:s20+$0x1C720] =	vst v0;
	v0 =	vld [tilespmem:s20+$0x18740]  }
0x38: {  	v1 =	vld.idx.msk [tilespmem:v1+s6+$0x0], $0xffff;
	_ =	sdelay $0x5  }
0x39: {  	[tilespmem:s20+$0x1C730] =	vst v1;
	v1 =	vld [tilespmem:s20+$0x18750]  }
0x3a: {  	v0 =	vld.idx.msk [tilespmem:v0+s6+$0x0], $0xffff;
	_ =	sdelay $0x5  }
0x3b: {  	[tilespmem:s20+$0x1C740] =	vst v0;
	v2 =	vld [tilespmem:s20+$0x18760]  }
0x3c: {  	v0 =	vld.idx.msk [tilespmem:v1+s6+$0x0], $0xffff;
	_ =	sdelay $0x5  }
0x3d: {  	[tilespmem:s20+$0x1C750] =	vst v0;
	v0 =	vld [tilespmem:s20+$0x18770]  }
0x3e: {  	v1 =	vld.idx.msk [tilespmem:v2+s6+$0x0], $0xffff  }
.Ltmp0:
0x3f: {  	(pc) =	sbr.rel @p0 .LBB2_3-.Ltmp0, $2  }
0x40: {  	_ =	sdelay $0x2  }
0x41: {  	s22 =	sshra.s32 s21, $0x2;
	s21 =	sadd.s32 $0x200, s21  }
0x42: {  	_ =	sdelay $0x1  }
0x43: {  	v2 =	vld [tilespmem:s22+$0x18700]  }
0x44: {  	[tilespmem:s20+$0x1C760] =	vst v1  }
0x45: {  	v0 =	vld.idx.msk [tilespmem:v0+s6+$0x0], $0xffff;
	_ =	sdelay $0x3  }
0x46: {  	v1 =	vld [tilespmem:s22+$0x18710]  }
0x47: {  	[tilespmem:s20+$0x1C770] =	vst v0  }
0x48: {  	v0 =	vld.idx.msk [tilespmem:v2+s6+$0x0], $0xffff;
	_ =	sdelay $0x4  }
0x49: {  	[tilespmem:s22+$0x1C700] =	vst v0;
	v0 =	vld [tilespmem:s22+$0x18720]  }
0x4a: {  	v1 =	vld.idx.msk [tilespmem:v1+s6+$0x0], $0xffff;
	_ =	sdelay $0x4  }
0x4b: {  	[tilespmem:s22+$0x1C710] =	vst v1;
	v1 =	vld [tilespmem:s22+$0x18730];
	_ =	sdelay $0x1  }
0x4c: {  	v0 =	vld.idx.msk [tilespmem:v0+s6+$0x0], $0xffff;
	_ =	sdelay $0x4  }
0x4d: {  	[tilespmem:s22+$0x1C720] =	vst v0;
	v0 =	vld [tilespmem:s22+$0x18740]  }
0x4e: {  	v1 =	vld.idx.msk [tilespmem:v1+s6+$0x0], $0xffff;
	_ =	sdelay $0x4  }
0x4f: {  	[tilespmem:s22+$0x1C730] =	vst v1;
	v1 =	vld [tilespmem:s22+$0x18750];
	_ =	sdelay $0x1  }
0x50: {  	v0 =	vld.idx.msk [tilespmem:v0+s6+$0x0], $0xffff;
	_ =	sdelay $0x4  }
0x51: {  	[tilespmem:s22+$0x1C740] =	vst v0;
	v0 =	vld [tilespmem:s22+$0x18760]  }
0x52: {  	v1 =	vld.idx.msk [tilespmem:v1+s6+$0x0], $0xffff;
	_ =	sdelay $0x4  }
0x53: {  	[tilespmem:s22+$0x1C750] =	vst v1;
	v1 =	vld [tilespmem:s22+$0x18770];
	_ =	sdelay $0x1  }
0x54: {  	v0 =	vld.idx.msk [tilespmem:v0+s6+$0x0], $0xffff;
	_ =	sdelay $0x4  }
0x55: {  	[tilespmem:s22+$0x1C760] =	vst v0  }
0x56: {  	v0 =	vld.idx.msk [tilespmem:v1+s6+$0x0], $0xffff  }
0x57: {  	s30 =	sshll.u32 s19, $0xB  }
0x58: {  	s21 =	sshll.u32 s17, $0x10;
	s31 =	sshll.u32 s19, $0x4;
	s20 =	sand.u32 $0xC000, s30  }
0x59: {  	s19 =	sand.u32 $0x70, s31;
	s20 =	sor.u32 s21, s20  }
0x5a: {  	s19 =	sor.u32 s19, s20  }
0x5b: {  	s20 =	sadd.s32 s5, s19;
	[tilespmem:s22+$0x1C770] =	vst v0  }
0x5c: {  	[hbm4b:s20+s10] =	stream.strided.scatter [tilespmem:s13], [sflag:$0x2], $0x2000, s11, s10, $0x38;
	[tilespmem:$0x1E700] =	vst v63  }
0x5d: {  	_ =	swait.ge [sflag:s14], $0x2000  }
0x5e: {  	[sflag:s14] =	ssyncset.done $0x0  }
0x5f: {  	s20 =	simm.s32 $0x0;
	[sflag:s14] =	ssyncadd.s32 $0xFFFFE000  }
0x60: {  	v0 =	vld [tilespmem:s20+$0x1A700];
	_ =	sdelay $0x5  }
0x61: {  	v1 =	vld [tilespmem:s20+$0x1A710];
	_ =	sdelay $0x1  }
0x62: {  	v0 =	vld.idx.msk [tilespmem:v0+s6+$0x0], $0xffff;
	_ =	sdelay $0x4  }
0x63: {  	[tilespmem:s20+$0x1C700] =	vst v0;
	v0 =	vld [tilespmem:s20+$0x1A720]  }
0x64: {  	v1 =	vld.idx.msk [tilespmem:v1+s6+$0x0], $0xffff;
	_ =	sdelay $0x4  }
0x65: {  	[tilespmem:s20+$0x1C710] =	vst v1;
	v1 =	vld [tilespmem:s20+$0x1A730];
	_ =	sdelay $0x1  }
0x66: {  	v0 =	vld.idx.msk [tilespmem:v0+s6+$0x0], $0xffff;
	_ =	sdelay $0x4  }
0x67: {  	[tilespmem:s20+$0x1C720] =	vst v0;
	v0 =	vld [tilespmem:s20+$0x1A740]  }
0x68: {  	v1 =	vld.idx.msk [tilespmem:v1+s6+$0x0], $0xffff;
	_ =	sdelay $0x4  }
0x69: {  	[tilespmem:s20+$0x1C730] =	vst v1;
	v1 =	vld [tilespmem:s20+$0x1A750];
	_ =	sdelay $0x1  }
0x6a: {  	v0 =	vld.idx.msk [tilespmem:v0+s6+$0x0], $0xffff;
	_ =	sdelay $0x4  }
0x6b: {  	v2 =	vld [tilespmem:s20+$0x1A760];
	[tilespmem:s20+$0x1C740] =	vst v0  }
0x6c: {  	v0 =	vld.idx.msk [tilespmem:v1+s6+$0x0], $0xffff;
	_ =	sdelay $0x4  }
0x6d: {  	[tilespmem:s20+$0x1C750] =	vst v0;
	v0 =	vld [tilespmem:s20+$0x1A770];
	_ =	sdelay $0x1  }
0x6e: {  	v1 =	vld.idx.msk [tilespmem:v2+s6+$0x0], $0xffff;
	_ =	sdelay $0x3  }
0x6f: {  	s21 =	simm.s32 $0x400;
	s22 =	simm.s32 $0x80  }
.LBB2_5:
0x70: {  	p0 =	sne.s32 s21, $0x7E00;
	v2 =	vld [tilespmem:s22+$0x1A700];
	[tilespmem:s20+$0x1C760] =	vst v1  }
0x71: {  	v0 =	vld.idx.msk [tilespmem:v0+s6+$0x0], $0xffff;
	_ =	sdelay $0x5  }
0x72: {  	v1 =	vld [tilespmem:s22+$0x1A710];
	[tilespmem:s20+$0x1C770] =	vst v0;
	s20 =	smov.u32 s22  }
0x73: {  	v0 =	vld.idx.msk [tilespmem:v2+s6+$0x0], $0xffff;
	_ =	sdelay $0x5  }
0x74: {  	[tilespmem:s20+$0x1C700] =	vst v0;
	v0 =	vld [tilespmem:s20+$0x1A720]  }
0x75: {  	v1 =	vld.idx.msk [tilespmem:v1+s6+$0x0], $0xffff;
	_ =	sdelay $0x5  }
0x76: {  	[tilespmem:s20+$0x1C710] =	vst v1;
	v1 =	vld [tilespmem:s20+$0x1A730]  }
0x77: {  	v0 =	vld.idx.msk [tilespmem:v0+s6+$0x0], $0xffff;
	_ =	sdelay $0x5  }
0x78: {  	[tilespmem:s20+$0x1C720] =	vst v0;
	v0 =	vld [tilespmem:s20+$0x1A740]  }
0x79: {  	v1 =	vld.idx.msk [tilespmem:v1+s6+$0x0], $0xffff;
	_ =	sdelay $0x5  }
0x7a: {  	[tilespmem:s20+$0x1C730] =	vst v1;
	v1 =	vld [tilespmem:s20+$0x1A750]  }
0x7b: {  	v0 =	vld.idx.msk [tilespmem:v0+s6+$0x0], $0xffff;
	_ =	sdelay $0x5  }
0x7c: {  	[tilespmem:s20+$0x1C740] =	vst v0;
	v2 =	vld [tilespmem:s20+$0x1A760]  }
0x7d: {  	v0 =	vld.idx.msk [tilespmem:v1+s6+$0x0], $0xffff;
	_ =	sdelay $0x5  }
0x7e: {  	[tilespmem:s20+$0x1C750] =	vst v0;
	v0 =	vld [tilespmem:s20+$0x1A770]  }
0x7f: {  	v1 =	vld.idx.msk [tilespmem:v2+s6+$0x0], $0xffff  }
.Ltmp1:
0x80: {  	(pc) =	sbr.rel @p0 .LBB2_5-.Ltmp1, $2  }
0x81: {  	_ =	sdelay $0x2  }
0x82: {  	s22 =	sshra.s32 s21, $0x2;
	s21 =	sadd.s32 $0x200, s21  }
0x83: {  	_ =	sdelay $0x1  }
0x84: {  	v2 =	vld [tilespmem:s22+$0x1A700]  }
0x85: {  	[tilespmem:s20+$0x1C760] =	vst v1  }
0x86: {  	v0 =	vld.idx.msk [tilespmem:v0+s6+$0x0], $0xffff;
	_ =	sdelay $0x3  }
0x87: {  	v1 =	vld [tilespmem:s22+$0x1A710]  }
0x88: {  	[tilespmem:s20+$0x1C770] =	vst v0  }
0x89: {  	v0 =	vld.idx.msk [tilespmem:v2+s6+$0x0], $0xffff;
	_ =	sdelay $0x3  }
0x8a: {  	v58 =	vld [tilespmem:s22+$0x1A720]  }
0x8b: {  	[tilespmem:s22+$0x1C700] =	vst v0  }
0x8c: {  	v1 =	vld.idx.msk [tilespmem:v1+s6+$0x0], $0xffff;
	_ =	sdelay $0x3  }
0x8d: {  	v59 =	vld [tilespmem:s22+$0x1A730]  }
0x8e: {  	[tilespmem:s22+$0x1C710] =	vst v1  }
0x8f: {  	v0 =	vld.idx.msk [tilespmem:v58+s6+$0x0], $0xffff;
	_ =	sdelay $0x3  }
0x90: {  	v60 =	vld [tilespmem:s22+$0x1A740]  }
0x91: {  	[tilespmem:s22+$0x1C720] =	vst v0  }
0x92: {  	v1 =	vld.idx.msk [tilespmem:v59+s6+$0x0], $0xffff;
	_ =	sdelay $0x3  }
0x93: {  	v61 =	vld [tilespmem:s22+$0x1A750]  }
0x94: {  	[tilespmem:s22+$0x1C730] =	vst v1  }
0x95: {  	v0 =	vld.idx.msk [tilespmem:v60+s6+$0x0], $0xffff;
	_ =	sdelay $0x3  }
0x96: {  	v62 =	vld [tilespmem:s22+$0x1A760]  }
0x97: {  	[tilespmem:s22+$0x1C740] =	vst v0  }
0x98: {  	v1 =	vld.idx.msk [tilespmem:v61+s6+$0x0], $0xffff;
	_ =	sdelay $0x3  }
0x99: {  	v63 =	vld [tilespmem:s22+$0x1A770]  }
0x9a: {  	[tilespmem:s22+$0x1C750] =	vst v1  }
0x9b: {  	v0 =	vld.idx.msk [tilespmem:v62+s6+$0x0], $0xffff  }
0x9c: {  	p0 =	seq.s32 s16, $0x19  }
0x9d: {  	s18 =	sadd.s32 @!p0 $0x1, s18  }
0x9e: {  	s21 =	sand.u32 @!p0 $0x18, s18  }
0x9f: {  	s21 =	sshrl.u32 @!p0 s21, $0x3  }
0xa0: {  	s21 =	smul.u32 @!p0 $0xC3800, s21;
	s20 =	sshrl.u32 @!p0 s18, $0x5;
	[tilespmem:s22+$0x1C760] =	vst v0  }
0xa1: {  	s20 =	smul.u32 @!p0 $0x30E000, s20;
	v0 =	vld.idx.msk [tilespmem:v63+s6+$0x0], $0xffff  }
0xa2: {  	s18 =	sshll.u32 @!p0 s18, $0x7  }
0xa3: {  	s18 =	sand.u32 @!p0 $0x380, s18;
	s20 =	sadd.s32 @!p0 s20, s21  }
0xa4: {  	s18 =	sor.u32 @!p0 s18, s20  }
0xa5: {  	s16 =	sadd.s32 $0x1, s16;
	s21 =	simm.s32 @!p0 $0x400;
	s18 =	sshrl.u32 @!p0 s18, $0x3  }
0xa6: {  	s20 =	simm.s32 @!p0 $0x80;
	s18 =	sadd.s32 @!p0 s2, s18;
	[tilespmem:s22+$0x1C770] =	vst v0;
	s22 =	simm.s32 @!p0 $0x0  }
0xa7: {  	[tilespmem:s22], [sflag:$0x1] =	stream.strided.gather @!p0 [hbm4b:s18+s20], $0x18700, s21, s20, $0x38;
	[tilespmem:$0x1E700] =	vst v63  }
0xa8: {  	p0 =	sne.s32 s16, $0x1A  }
.Ltmp2:
0xa9: {  	_ = 	snop;
	(pc) =	sbr.rel @p0 .LBB2_2-.Ltmp2, $3  }
0xaa: {  	_ =	sdelay $0x1  }
0xab: {  	s31 =	sadd.s32 s19, s8  }
0xac: {  	[hbm4b:s31+s10] =	stream.strided.scatter [tilespmem:s13], [sflag:$0x2], $0x2000, s11, s10, $0x38;
	[tilespmem:$0x1E700] =	vst v63  }
0xad: {  	s15 =	sadd.s32 $0x1, s15  }
0xae: {  	p0 =	sne.s32 s15, s9  }
.Ltmp3:
0xaf: {  	_ = 	snop;
	(pc) =	sbr.rel @p0 .LBB2_1-.Ltmp3, $4  }
0xb0: {  	_ = 	snop  }
0xb1: {  	_ =	swait.ge [sflag:s14], $0x2000  }
0xb2: {  	[sflag:s14] =	ssyncset.done $0x0  }
0xb3: {  	[sflag:s14] =	ssyncadd.s32 $0xFFFFE000  }
0xb4: {  	_ =	sfence.sel $0x180000  }
0xb5: {  	[bflag:$0x0] =	sbarrier.arrive $0xFFFF  }
0xb6: {  	p0 =	sne.s32 s0, $0x0;
	_ =	strace $0x90000047  }
0xb7: {  	s0 =	sadd.s32 @!p0 $0x100000, s3;
	[bflag:$0x2] =	sbarrier.arrive $0xFFFF  }
0xb8: {  	[sflag:s0] =	ssyncadd.tile.s32 @!p0 $0x1;
	_ =	shalt  }
.Lfunc_end2:
_tile_overlayer_lowered:
.L_overlay_start_2:
0xb9: {  	(tag) =	ssettag $0x2  }
0xba: {  	s0 =	rddreg [dreg:$0x0];
	s2 =	stileid.u32  }
0xbb: {  	s1 =	rddreg [dreg:$0x1];
	p0 =	sne.s32 s2, $0x0  }
0xbc: {  	s3 =	rddreg [dreg:$0x2];
	[bflag:$0x3] =	sbarrier.arrive $0xFFFF;
	s2 =	simm.s32 @!p0 $0x1C03  }
0xbd: {  	[timem:s3], [sflag:s2] =	dma.local @!p0 [hbm:s0], s1  }
0xbe: {  	s0 =	simm.s32 @!p0 $0x3  }
0xbf: {  	_ =	swait.ge @!p0 [sflag:s0], s1  }
0xc0: {  	s1 =	ssub.s32 @!p0 $0x0, s1;
	[sflag:s0] =	ssyncset.done @!p0 $0x0  }
0xc1: {  	[sflag:s0] =	ssyncadd.s32 @!p0 s1  }
0xc2: {  	[bflag:$0x3] =	sbarrier.arrive $0xFFFF  }
0xc3: {  	_ =	shalt  }

</sc_bundles>
